<compile_context>
chip_gen: v7x
topology: tpu7x:2x2x1
jax: 0.10.2.dev20260603
libtpu: 0.0.44.dev20260713+nightly
codegen_flags: <defaults>
</compile_context>

<pallas_src>
import jax
import jax.numpy as jnp
from jax import lax
from jax.experimental import pallas as pl
from jax.experimental.pallas import tpu as pltpu
from jax.experimental.pallas import tpu_sc as plsc

_BATCH = 16384
_ROW = 128


def _make_kernel(tab_n):
    info = plsc.get_sparse_core_info()
    nw = info.num_subcores
    b_per_w = _BATCH // nw
    rows = b_per_w // _ROW

    mesh = plsc.VectorSubcoreMesh(
        core_axis_name="c", subcore_axis_name="s", num_cores=1
    )

    @pl.kernel(
        out_type=jax.ShapeDtypeStruct((nw, rows, _ROW), jnp.float32),
        mesh=mesh,
        scratch_types=[
            pltpu.VMEM_SHARED((tab_n,), jnp.float32),
            pltpu.VMEM((rows, _ROW), jnp.int32),
            pltpu.VMEM((rows, _ROW), jnp.float32),
            pltpu.SemaphoreType.DMA,
        ]
        + [pltpu.SemaphoreType.DMA] * rows,
    )
    def gather_kernel(
        betas_hbm, idx_hbm, out_hbm, tab_sh, idx_v, out_v, sem, *sems
    ):
        wid = lax.axis_index("s")
        idx_cp = pltpu.async_copy(idx_hbm.at[wid], idx_v, sem)

        @pl.when(wid == 0)
        def _():
            pltpu.sync_copy(betas_hbm, tab_sh)

        idx_cp.wait()
        plsc.subcore_barrier()
        gathers = [
            pltpu.async_copy(tab_sh.at[idx_v.at[j]], out_v.at[j], sems[j])
            for j in range(rows)
        ]
        for g in gathers:
            g.wait()
        pltpu.sync_copy(out_v, out_hbm.at[wid])

    return gather_kernel


def kernel(t_int, betas):
    info = plsc.get_sparse_core_info()
    nw = info.num_subcores
    idx = t_int.reshape(nw, _BATCH // nw // _ROW, _ROW)
    out = _make_kernel(betas.shape[0])(betas, idx)
    return out.reshape(_BATCH)

# --- scband reference (transcript-rebuilt; emitter-appended) ---
"""Pipeline reference for scband-predefined-noise-schedule-discrete-13615046328904 (READ-ONLY COPY).

The authoritative reference and input builder live on the scoring server;
editing this copy changes nothing except your own understanding.
"""

import jax, jax.numpy as jnp
import numpy as np

TIMESTEPS = 500
BATCH = 16384


def cosine_beta_schedule_discrete(timesteps, s=0.008):
    steps = timesteps + 2
    x = np.linspace(0, steps, steps)
    alphas_cumprod = np.cos(0.5 * np.pi * (x / steps + s) / (1 + s)) ** 2
    alphas_cumprod = alphas_cumprod / alphas_cumprod[0]
    alphas = alphas_cumprod[1:] / alphas_cumprod[:-1]
    betas = 1 - alphas
    return betas.squeeze()


def setup_inputs(seed: int = 0) -> dict:
    key = jax.random.key(seed)
    t_int = jax.random.randint(key, (BATCH,), 0, TIMESTEPS, dtype=jnp.int32)
    betas = jnp.asarray(cosine_beta_schedule_discrete(TIMESTEPS), dtype=jnp.float32)
    return {"t_int": t_int, "betas": betas}


def reference(t_int, betas):
    # forward with t_int provided (t_normalized=None): return betas[t_int.long()]
    return jnp.take(betas, t_int, axis=0)

if __name__ == "__main__":
    import jax
    _d = setup_inputs()
    print(jax.jit(kernel)(*tuple(_d.values())))

</pallas_src>

<mosaic_0001>
#map = affine_map<(d0, d1) -> (0)>
#map1 = affine_map<(d0, d1) -> (0, 0, 0)>
module attributes {stable_mosaic.version = 14 : i64} {
  func.func @gather_kernel(%arg0: i32, %arg1: i32, %arg2: memref<501xf32, #tpu.memory_space<hbm>>, %arg3: memref<16x8x128xi32, #tpu.memory_space<hbm>>, %arg4: memref<16x8x128xf32, #tpu.memory_space<hbm>>, %arg5: memref<501xf32, #tpu.memory_space<vmem_shared>>, %arg6: memref<8x128xi32, #tpu.memory_space<vmem>>, %arg7: memref<8x128xf32, #tpu.memory_space<vmem>>, %arg8: memref<!tpu.dma_semaphore, #tpu.memory_space<semaphore_mem>>, %arg9: memref<!tpu.dma_semaphore, #tpu.memory_space<semaphore_mem>>, %arg10: memref<!tpu.dma_semaphore, #tpu.memory_space<semaphore_mem>>, %arg11: memref<!tpu.dma_semaphore, #tpu.memory_space<semaphore_mem>>, %arg12: memref<!tpu.dma_semaphore, #tpu.memory_space<semaphore_mem>>, %arg13: memref<!tpu.dma_semaphore, #tpu.memory_space<semaphore_mem>>, %arg14: memref<!tpu.dma_semaphore, #tpu.memory_space<semaphore_mem>>, %arg15: memref<!tpu.dma_semaphore, #tpu.memory_space<semaphore_mem>>, %arg16: memref<!tpu.dma_semaphore, #tpu.memory_space<semaphore_mem>>) attributes {dimension_semantics = [#tpu.dimension_semantics<core_parallel>, #tpu.dimension_semantics<subcore_parallel>], iteration_bounds = array<i64: 1, 16>, scalar_prefetch = 0 : i64, scratch_operands = 12 : i64, tpu.core_type = #tpu.core_type<sc_vector_subcore>, window_params = [{transform_indices = #map}, {transform_indices = #map1}, {transform_indices = #map1}]} {
    %dma_start3A = arith.constant 0 : i32
    %dma_start3A_0 = arith.constant 0 : i32
    %dma_start3A_1 = tpu.memref_slice %arg3[%arg1, %dma_start3A, %dma_start3A_0] : memref<16x8x128xi32, #tpu.memory_space<hbm>> -> memref<1x8x128xi32, #tpu.memory_space<hbm>>
    %dma_start3A_2 = tpu.memref_squeeze %dma_start3A_1 : memref<1x8x128xi32, #tpu.memory_space<hbm>> -> memref<8x128xi32, #tpu.memory_space<hbm>>
    %dma_start3A_3 = arith.constant 0 : i32
    %dma_start3A_4 = arith.constant 0 : i32
    %dma_start3A_5 = tpu.memref_slice %arg3[%arg1, %dma_start3A_3, %dma_start3A_4] : memref<16x8x128xi32, #tpu.memory_space<hbm>> -> memref<1x8x128xi32, #tpu.memory_space<hbm>>
    %dma_start3A_6 = tpu.memref_squeeze %dma_start3A_5 : memref<1x8x128xi32, #tpu.memory_space<hbm>> -> memref<8x128xi32, #tpu.memory_space<hbm>>
    tpu.enqueue_dma source(%dma_start3A_6 : memref<8x128xi32, #tpu.memory_space<hbm>>) target(%arg6 : memref<8x128xi32, #tpu.memory_space<vmem>>) target_semaphore(%arg8 : memref<!tpu.dma_semaphore, #tpu.memory_space<semaphore_mem>>)
    %eq3A = arith.constant 0 : i32
    %eq3A_7 = arith.cmpi eq, %arg1, %eq3A : i32
    %convert_element_type3A = arith.extui %eq3A_7 : i1 to i32
    %cond3A = arith.constant 0 : i32
    %cond3A_8 = arith.cmpi ne, %convert_element_type3A, %cond3A : i32
    scf.if %cond3A_8 {
      "tpu.region"() ({
        %run_scoped3A = tpu.sem_alloc : memref<!tpu.dma_semaphore, #tpu.memory_space<semaphore_mem>>
        tpu.enqueue_dma source(%arg2 : memref<501xf32, #tpu.memory_space<hbm>>) target(%arg5 : memref<501xf32, #tpu.memory_space<vmem_shared>>) target_semaphore(%run_scoped3A : memref<!tpu.dma_semaphore, #tpu.memory_space<semaphore_mem>>)
        tpu.wait_dma2 semaphore(%run_scoped3A : memref<!tpu.dma_semaphore, #tpu.memory_space<semaphore_mem>>) src(%arg2 : memref<501xf32, #tpu.memory_space<hbm>>) dst(%arg5 : memref<501xf32, #tpu.memory_space<vmem_shared>>)
        tpu.yield
      }) : () -> ()
    } else {
    }
    %dma_wait3A = arith.constant 0 : i32
    %dma_wait3A_9 = arith.constant 0 : i32
    %dma_wait3A_10 = tpu.memref_slice %arg3[%arg1, %dma_wait3A, %dma_wait3A_9] : memref<16x8x128xi32, #tpu.memory_space<hbm>> -> memref<1x8x128xi32, #tpu.memory_space<hbm>>
    %dma_wait3A_11 = tpu.memref_squeeze %dma_wait3A_10 : memref<1x8x128xi32, #tpu.memory_space<hbm>> -> memref<8x128xi32, #tpu.memory_space<hbm>>
    %dma_wait3A_12 = arith.constant 0 : i32
    %dma_wait3A_13 = arith.constant 0 : i32
    %dma_wait3A_14 = tpu.memref_slice %arg3[%arg1, %dma_wait3A_12, %dma_wait3A_13] : memref<16x8x128xi32, #tpu.memory_space<hbm>> -> memref<1x8x128xi32, #tpu.memory_space<hbm>>
    %dma_wait3A_15 = tpu.memref_squeeze %dma_wait3A_14 : memref<1x8x128xi32, #tpu.memory_space<hbm>> -> memref<8x128xi32, #tpu.memory_space<hbm>>
    tpu.wait_dma2 semaphore(%arg8 : memref<!tpu.dma_semaphore, #tpu.memory_space<semaphore_mem>>) src(%dma_wait3A_15 : memref<8x128xi32, #tpu.memory_space<hbm>>) dst(%arg6 : memref<8x128xi32, #tpu.memory_space<vmem>>)
    %barrier3A = arith.constant 0 : index
    tpu.barrier barrier_id(%barrier3A)
    %dma_start3A_16 = arith.constant 0 : i32
    %dma_start3A_17 = arith.constant 0 : i32
    %dma_start3A_18 = arith.constant 0 : i32
    %dma_start3A_19 = tpu.memref_slice %arg7[%dma_start3A_17, %dma_start3A_18] : memref<8x128xf32, #tpu.memory_space<vmem>> -> memref<1x128xf32, #tpu.memory_space<vmem>>
    %dma_start3A_20 = tpu.memref_squeeze %dma_start3A_19 : memref<1x128xf32, #tpu.memory_space<vmem>> -> memref<128xf32, #tpu.memory_space<vmem>>
    %dma_start3A_21 = arith.constant 0 : i32
    %dma_start3A_22 = tpu.memref_slice %arg6[%dma_start3A_16, %dma_start3A_21] : memref<8x128xi32, #tpu.memory_space<vmem>> -> memref<1x128xi32, #tpu.memory_space<vmem>>
    %dma_start3A_23 = tpu.memref_squeeze %dma_start3A_22 : memref<1x128xi32, #tpu.memory_space<vmem>> -> memref<128xi32, #tpu.memory_space<vmem>>
    %dma_start3A_24 = arith.constant 0 : i32
    %dma_start3A_25 = tpu.memref_slice %arg5[%dma_start3A_24] : memref<501xf32, #tpu.memory_space<vmem_shared>> -> memref<501xf32, #tpu.memory_space<vmem_shared>>
    tpu.enqueue_indirect_dma source(%dma_start3A_25 : memref<501xf32, #tpu.memory_space<vmem_shared>>) target(%dma_start3A_20 : memref<128xf32, #tpu.memory_space<vmem>>) offsets(%dma_start3A_23 : memref<128xi32, #tpu.memory_space<vmem>>) semaphore(%arg9 : memref<!tpu.dma_semaphore, #tpu.memory_space<semaphore_mem>>)
    %dma_start3A_26 = arith.constant 1 : i32
    %dma_start3A_27 = arith.constant 1 : i32
    %dma_start3A_28 = arith.constant 0 : i32
    %dma_start3A_29 = tpu.memref_slice %arg7[%dma_start3A_27, %dma_start3A_28] : memref<8x128xf32, #tpu.memory_space<vmem>> -> memref<1x128xf32, #tpu.memory_space<vmem>>
    %dma_start3A_30 = tpu.memref_squeeze %dma_start3A_29 : memref<1x128xf32, #tpu.memory_space<vmem>> -> memref<128xf32, #tpu.memory_space<vmem>>
    %dma_start3A_31 = arith.constant 0 : i32
    %dma_start3A_32 = tpu.memref_slice %arg6[%dma_start3A_26, %dma_start3A_31] : memref<8x128xi32, #tpu.memory_space<vmem>> -> memref<1x128xi32, #tpu.memory_space<vmem>>
    %dma_start3A_33 = tpu.memref_squeeze %dma_start3A_32 : memref<1x128xi32, #tpu.memory_space<vmem>> -> memref<128xi32, #tpu.memory_space<vmem>>
    %dma_start3A_34 = arith.constant 0 : i32
    %dma_start3A_35 = tpu.memref_slice %arg5[%dma_start3A_34] : memref<501xf32, #tpu.memory_space<vmem_shared>> -> memref<501xf32, #tpu.memory_space<vmem_shared>>
    tpu.enqueue_indirect_dma source(%dma_start3A_35 : memref<501xf32, #tpu.memory_space<vmem_shared>>) target(%dma_start3A_30 : memref<128xf32, #tpu.memory_space<vmem>>) offsets(%dma_start3A_33 : memref<128xi32, #tpu.memory_space<vmem>>) semaphore(%arg10 : memref<!tpu.dma_semaphore, #tpu.memory_space<semaphore_mem>>)
    %dma_start3A_36 = arith.constant 2 : i32
    %dma_start3A_37 = arith.constant 2 : i32
    %dma_start3A_38 = arith.constant 0 : i32
    %dma_start3A_39 = tpu.memref_slice %arg7[%dma_start3A_37, %dma_start3A_38] : memref<8x128xf32, #tpu.memory_space<vmem>> -> memref<1x128xf32, #tpu.memory_space<vmem>>
    %dma_start3A_40 = tpu.memref_squeeze %dma_start3A_39 : memref<1x128xf32, #tpu.memory_space<vmem>> -> memref<128xf32, #tpu.memory_space<vmem>>
    %dma_start3A_41 = arith.constant 0 : i32
    %dma_start3A_42 = tpu.memref_slice %arg6[%dma_start3A_36, %dma_start3A_41] : memref<8x128xi32, #tpu.memory_space<vmem>> -> memref<1x128xi32, #tpu.memory_space<vmem>>
    %dma_start3A_43 = tpu.memref_squeeze %dma_start3A_42 : memref<1x128xi32, #tpu.memory_space<vmem>> -> memref<128xi32, #tpu.memory_space<vmem>>
    %dma_start3A_44 = arith.constant 0 : i32
    %dma_start3A_45 = tpu.memref_slice %arg5[%dma_start3A_44] : memref<501xf32, #tpu.memory_space<vmem_shared>> -> memref<501xf32, #tpu.memory_space<vmem_shared>>
    tpu.enqueue_indirect_dma source(%dma_start3A_45 : memref<501xf32, #tpu.memory_space<vmem_shared>>) target(%dma_start3A_40 : memref<128xf32, #tpu.memory_space<vmem>>) offsets(%dma_start3A_43 : memref<128xi32, #tpu.memory_space<vmem>>) semaphore(%arg11 : memref<!tpu.dma_semaphore, #tpu.memory_space<semaphore_mem>>)
    %dma_start3A_46 = arith.constant 3 : i32
    %dma_start3A_47 = arith.constant 3 : i32
    %dma_start3A_48 = arith.constant 0 : i32
    %dma_start3A_49 = tpu.memref_slice %arg7[%dma_start3A_47, %dma_start3A_48] : memref<8x128xf32, #tpu.memory_space<vmem>> -> memref<1x128xf32, #tpu.memory_space<vmem>>
    %dma_start3A_50 = tpu.memref_squeeze %dma_start3A_49 : memref<1x128xf32, #tpu.memory_space<vmem>> -> memref<128xf32, #tpu.memory_space<vmem>>
    %dma_start3A_51 = arith.constant 0 : i32
    %dma_start3A_52 = tpu.memref_slice %arg6[%dma_start3A_46, %dma_start3A_51] : memref<8x128xi32, #tpu.memory_space<vmem>> -> memref<1x128xi32, #tpu.memory_space<vmem>>
    %dma_start3A_53 = tpu.memref_squeeze %dma_start3A_52 : memref<1x128xi32, #tpu.memory_space<vmem>> -> memref<128xi32, #tpu.memory_space<vmem>>
    %dma_start3A_54 = arith.constant 0 : i32
    %dma_start3A_55 = tpu.memref_slice %arg5[%dma_start3A_54] : memref<501xf32, #tpu.memory_space<vmem_shared>> -> memref<501xf32, #tpu.memory_space<vmem_shared>>
    tpu.enqueue_indirect_dma source(%dma_start3A_55 : memref<501xf32, #tpu.memory_space<vmem_shared>>) target(%dma_start3A_50 : memref<128xf32, #tpu.memory_space<vmem>>) offsets(%dma_start3A_53 : memref<128xi32, #tpu.memory_space<vmem>>) semaphore(%arg12 : memref<!tpu.dma_semaphore, #tpu.memory_space<semaphore_mem>>)
    %dma_start3A_56 = arith.constant 4 : i32
    %dma_start3A_57 = arith.constant 4 : i32
    %dma_start3A_58 = arith.constant 0 : i32
    %dma_start3A_59 = tpu.memref_slice %arg7[%dma_start3A_57, %dma_start3A_58] : memref<8x128xf32, #tpu.memory_space<vmem>> -> memref<1x128xf32, #tpu.memory_space<vmem>>
    %dma_start3A_60 = tpu.memref_squeeze %dma_start3A_59 : memref<1x128xf32, #tpu.memory_space<vmem>> -> memref<128xf32, #tpu.memory_space<vmem>>
    %dma_start3A_61 = arith.constant 0 : i32
    %dma_start3A_62 = tpu.memref_slice %arg6[%dma_start3A_56, %dma_start3A_61] : memref<8x128xi32, #tpu.memory_space<vmem>> -> memref<1x128xi32, #tpu.memory_space<vmem>>
    %dma_start3A_63 = tpu.memref_squeeze %dma_start3A_62 : memref<1x128xi32, #tpu.memory_space<vmem>> -> memref<128xi32, #tpu.memory_space<vmem>>
    %dma_start3A_64 = arith.constant 0 : i32
    %dma_start3A_65 = tpu.memref_slice %arg5[%dma_start3A_64] : memref<501xf32, #tpu.memory_space<vmem_shared>> -> memref<501xf32, #tpu.memory_space<vmem_shared>>
    tpu.enqueue_indirect_dma source(%dma_start3A_65 : memref<501xf32, #tpu.memory_space<vmem_shared>>) target(%dma_start3A_60 : memref<128xf32, #tpu.memory_space<vmem>>) offsets(%dma_start3A_63 : memref<128xi32, #tpu.memory_space<vmem>>) semaphore(%arg13 : memref<!tpu.dma_semaphore, #tpu.memory_space<semaphore_mem>>)
    %dma_start3A_66 = arith.constant 5 : i32
    %dma_start3A_67 = arith.constant 5 : i32
    %dma_start3A_68 = arith.constant 0 : i32
    %dma_start3A_69 = tpu.memref_slice %arg7[%dma_start3A_67, %dma_start3A_68] : memref<8x128xf32, #tpu.memory_space<vmem>> -> memref<1x128xf32, #tpu.memory_space<vmem>>
    %dma_start3A_70 = tpu.memref_squeeze %dma_start3A_69 : memref<1x128xf32, #tpu.memory_space<vmem>> -> memref<128xf32, #tpu.memory_space<vmem>>
    %dma_start3A_71 = arith.constant 0 : i32
    %dma_start3A_72 = tpu.memref_slice %arg6[%dma_start3A_66, %dma_start3A_71] : memref<8x128xi32, #tpu.memory_space<vmem>> -> memref<1x128xi32, #tpu.memory_space<vmem>>
    %dma_start3A_73 = tpu.memref_squeeze %dma_start3A_72 : memref<1x128xi32, #tpu.memory_space<vmem>> -> memref<128xi32, #tpu.memory_space<vmem>>
    %dma_start3A_74 = arith.constant 0 : i32
    %dma_start3A_75 = tpu.memref_slice %arg5[%dma_start3A_74] : memref<501xf32, #tpu.memory_space<vmem_shared>> -> memref<501xf32, #tpu.memory_space<vmem_shared>>
    tpu.enqueue_indirect_dma source(%dma_start3A_75 : memref<501xf32, #tpu.memory_space<vmem_shared>>) target(%dma_start3A_70 : memref<128xf32, #tpu.memory_space<vmem>>) offsets(%dma_start3A_73 : memref<128xi32, #tpu.memory_space<vmem>>) semaphore(%arg14 : memref<!tpu.dma_semaphore, #tpu.memory_space<semaphore_mem>>)
    %dma_start3A_76 = arith.constant 6 : i32
    %dma_start3A_77 = arith.constant 6 : i32
    %dma_start3A_78 = arith.constant 0 : i32
    %dma_start3A_79 = tpu.memref_slice %arg7[%dma_start3A_77, %dma_start3A_78] : memref<8x128xf32, #tpu.memory_space<vmem>> -> memref<1x128xf32, #tpu.memory_space<vmem>>
    %dma_start3A_80 = tpu.memref_squeeze %dma_start3A_79 : memref<1x128xf32, #tpu.memory_space<vmem>> -> memref<128xf32, #tpu.memory_space<vmem>>
    %dma_start3A_81 = arith.constant 0 : i32
    %dma_start3A_82 = tpu.memref_slice %arg6[%dma_start3A_76, %dma_start3A_81] : memref<8x128xi32, #tpu.memory_space<vmem>> -> memref<1x128xi32, #tpu.memory_space<vmem>>
    %dma_start3A_83 = tpu.memref_squeeze %dma_start3A_82 : memref<1x128xi32, #tpu.memory_space<vmem>> -> memref<128xi32, #tpu.memory_space<vmem>>
    %dma_start3A_84 = arith.constant 0 : i32
    %dma_start3A_85 = tpu.memref_slice %arg5[%dma_start3A_84] : memref<501xf32, #tpu.memory_space<vmem_shared>> -> memref<501xf32, #tpu.memory_space<vmem_shared>>
    tpu.enqueue_indirect_dma source(%dma_start3A_85 : memref<501xf32, #tpu.memory_space<vmem_shared>>) target(%dma_start3A_80 : memref<128xf32, #tpu.memory_space<vmem>>) offsets(%dma_start3A_83 : memref<128xi32, #tpu.memory_space<vmem>>) semaphore(%arg15 : memref<!tpu.dma_semaphore, #tpu.memory_space<semaphore_mem>>)
    %dma_start3A_86 = arith.constant 7 : i32
    %dma_start3A_87 = arith.constant 7 : i32
    %dma_start3A_88 = arith.constant 0 : i32
    %dma_start3A_89 = tpu.memref_slice %arg7[%dma_start3A_87, %dma_start3A_88] : memref<8x128xf32, #tpu.memory_space<vmem>> -> memref<1x128xf32, #tpu.memory_space<vmem>>
    %dma_start3A_90 = tpu.memref_squeeze %dma_start3A_89 : memref<1x128xf32, #tpu.memory_space<vmem>> -> memref<128xf32, #tpu.memory_space<vmem>>
    %dma_start3A_91 = arith.constant 0 : i32
    %dma_start3A_92 = tpu.memref_slice %arg6[%dma_start3A_86, %dma_start3A_91] : memref<8x128xi32, #tpu.memory_space<vmem>> -> memref<1x128xi32, #tpu.memory_space<vmem>>
    %dma_start3A_93 = tpu.memref_squeeze %dma_start3A_92 : memref<1x128xi32, #tpu.memory_space<vmem>> -> memref<128xi32, #tpu.memory_space<vmem>>
    %dma_start3A_94 = arith.constant 0 : i32
    %dma_start3A_95 = tpu.memref_slice %arg5[%dma_start3A_94] : memref<501xf32, #tpu.memory_space<vmem_shared>> -> memref<501xf32, #tpu.memory_space<vmem_shared>>
    tpu.enqueue_indirect_dma source(%dma_start3A_95 : memref<501xf32, #tpu.memory_space<vmem_shared>>) target(%dma_start3A_90 : memref<128xf32, #tpu.memory_space<vmem>>) offsets(%dma_start3A_93 : memref<128xi32, #tpu.memory_space<vmem>>) semaphore(%arg16 : memref<!tpu.dma_semaphore, #tpu.memory_space<semaphore_mem>>)
    %dma_wait3A_96 = arith.constant 0 : i32
    %dma_wait3A_97 = arith.constant 0 : i32
    %dma_wait3A_98 = arith.constant 0 : i32
    %dma_wait3A_99 = tpu.memref_slice %arg7[%dma_wait3A_97, %dma_wait3A_98] : memref<8x128xf32, #tpu.memory_space<vmem>> -> memref<1x128xf32, #tpu.memory_space<vmem>>
    %dma_wait3A_100 = tpu.memref_squeeze %dma_wait3A_99 : memref<1x128xf32, #tpu.memory_space<vmem>> -> memref<128xf32, #tpu.memory_space<vmem>>
    %dma_wait3A_101 = arith.constant 0 : i32
    %dma_wait3A_102 = tpu.memref_slice %arg6[%dma_wait3A_96, %dma_wait3A_101] : memref<8x128xi32, #tpu.memory_space<vmem>> -> memref<1x128xi32, #tpu.memory_space<vmem>>
    %dma_wait3A_103 = tpu.memref_squeeze %dma_wait3A_102 : memref<1x128xi32, #tpu.memory_space<vmem>> -> memref<128xi32, #tpu.memory_space<vmem>>
    %dma_wait3A_104 = arith.constant 0 : i32
    %dma_wait3A_105 = tpu.memref_slice %arg5[%dma_wait3A_104] : memref<501xf32, #tpu.memory_space<vmem_shared>> -> memref<501xf32, #tpu.memory_space<vmem_shared>>
    tpu.wait_indirect_dma semaphore(%arg9 : memref<!tpu.dma_semaphore, #tpu.memory_space<semaphore_mem>>) src(%dma_wait3A_105 : memref<501xf32, #tpu.memory_space<vmem_shared>>) dst(%dma_wait3A_100 : memref<128xf32, #tpu.memory_space<vmem>>)
    %dma_wait3A_106 = arith.constant 1 : i32
    %dma_wait3A_107 = arith.constant 1 : i32
    %dma_wait3A_108 = arith.constant 0 : i32
    %dma_wait3A_109 = tpu.memref_slice %arg7[%dma_wait3A_107, %dma_wait3A_108] : memref<8x128xf32, #tpu.memory_space<vmem>> -> memref<1x128xf32, #tpu.memory_space<vmem>>
    %dma_wait3A_110 = tpu.memref_squeeze %dma_wait3A_109 : memref<1x128xf32, #tpu.memory_space<vmem>> -> memref<128xf32, #tpu.memory_space<vmem>>
    %dma_wait3A_111 = arith.constant 0 : i32
    %dma_wait3A_112 = tpu.memref_slice %arg6[%dma_wait3A_106, %dma_wait3A_111] : memref<8x128xi32, #tpu.memory_space<vmem>> -> memref<1x128xi32, #tpu.memory_space<vmem>>
    %dma_wait3A_113 = tpu.memref_squeeze %dma_wait3A_112 : memref<1x128xi32, #tpu.memory_space<vmem>> -> memref<128xi32, #tpu.memory_space<vmem>>
    %dma_wait3A_114 = arith.constant 0 : i32
    %dma_wait3A_115 = tpu.memref_slice %arg5[%dma_wait3A_114] : memref<501xf32, #tpu.memory_space<vmem_shared>> -> memref<501xf32, #tpu.memory_space<vmem_shared>>
    tpu.wait_indirect_dma semaphore(%arg10 : memref<!tpu.dma_semaphore, #tpu.memory_space<semaphore_mem>>) src(%dma_wait3A_115 : memref<501xf32, #tpu.memory_space<vmem_shared>>) dst(%dma_wait3A_110 : memref<128xf32, #tpu.memory_space<vmem>>)
    %dma_wait3A_116 = arith.constant 2 : i32
    %dma_wait3A_117 = arith.constant 2 : i32
    %dma_wait3A_118 = arith.constant 0 : i32
    %dma_wait3A_119 = tpu.memref_slice %arg7[%dma_wait3A_117, %dma_wait3A_118] : memref<8x128xf32, #tpu.memory_space<vmem>> -> memref<1x128xf32, #tpu.memory_space<vmem>>
    %dma_wait3A_120 = tpu.memref_squeeze %dma_wait3A_119 : memref<1x128xf32, #tpu.memory_space<vmem>> -> memref<128xf32, #tpu.memory_space<vmem>>
    %dma_wait3A_121 = arith.constant 0 : i32
    %dma_wait3A_122 = tpu.memref_slice %arg6[%dma_wait3A_116, %dma_wait3A_121] : memref<8x128xi32, #tpu.memory_space<vmem>> -> memref<1x128xi32, #tpu.memory_space<vmem>>
    %dma_wait3A_123 = tpu.memref_squeeze %dma_wait3A_122 : memref<1x128xi32, #tpu.memory_space<vmem>> -> memref<128xi32, #tpu.memory_space<vmem>>
    %dma_wait3A_124 = arith.constant 0 : i32
    %dma_wait3A_125 = tpu.memref_slice %arg5[%dma_wait3A_124] : memref<501xf32, #tpu.memory_space<vmem_shared>> -> memref<501xf32, #tpu.memory_space<vmem_shared>>
    tpu.wait_indirect_dma semaphore(%arg11 : memref<!tpu.dma_semaphore, #tpu.memory_space<semaphore_mem>>) src(%dma_wait3A_125 : memref<501xf32, #tpu.memory_space<vmem_shared>>) dst(%dma_wait3A_120 : memref<128xf32, #tpu.memory_space<vmem>>)
    %dma_wait3A_126 = arith.constant 3 : i32
    %dma_wait3A_127 = arith.constant 3 : i32
    %dma_wait3A_128 = arith.constant 0 : i32
    %dma_wait3A_129 = tpu.memref_slice %arg7[%dma_wait3A_127, %dma_wait3A_128] : memref<8x128xf32, #tpu.memory_space<vmem>> -> memref<1x128xf32, #tpu.memory_space<vmem>>
    %dma_wait3A_130 = tpu.memref_squeeze %dma_wait3A_129 : memref<1x128xf32, #tpu.memory_space<vmem>> -> memref<128xf32, #tpu.memory_space<vmem>>
    %dma_wait3A_131 = arith.constant 0 : i32
    %dma_wait3A_132 = tpu.memref_slice %arg6[%dma_wait3A_126, %dma_wait3A_131] : memref<8x128xi32, #tpu.memory_space<vmem>> -> memref<1x128xi32, #tpu.memory_space<vmem>>
    %dma_wait3A_133 = tpu.memref_squeeze %dma_wait3A_132 : memref<1x128xi32, #tpu.memory_space<vmem>> -> memref<128xi32, #tpu.memory_space<vmem>>
    %dma_wait3A_134 = arith.constant 0 : i32
    %dma_wait3A_135 = tpu.memref_slice %arg5[%dma_wait3A_134] : memref<501xf32, #tpu.memory_space<vmem_shared>> -> memref<501xf32, #tpu.memory_space<vmem_shared>>
    tpu.wait_indirect_dma semaphore(%arg12 : memref<!tpu.dma_semaphore, #tpu.memory_space<semaphore_mem>>) src(%dma_wait3A_135 : memref<501xf32, #tpu.memory_space<vmem_shared>>) dst(%dma_wait3A_130 : memref<128xf32, #tpu.memory_space<vmem>>)
    %dma_wait3A_136 = arith.constant 4 : i32
    %dma_wait3A_137 = arith.constant 4 : i32
    %dma_wait3A_138 = arith.constant 0 : i32
    %dma_wait3A_139 = tpu.memref_slice %arg7[%dma_wait3A_137, %dma_wait3A_138] : memref<8x128xf32, #tpu.memory_space<vmem>> -> memref<1x128xf32, #tpu.memory_space<vmem>>
    %dma_wait3A_140 = tpu.memref_squeeze %dma_wait3A_139 : memref<1x128xf32, #tpu.memory_space<vmem>> -> memref<128xf32, #tpu.memory_space<vmem>>
    %dma_wait3A_141 = arith.constant 0 : i32
    %dma_wait3A_142 = tpu.memref_slice %arg6[%dma_wait3A_136, %dma_wait3A_141] : memref<8x128xi32, #tpu.memory_space<vmem>> -> memref<1x128xi32, #tpu.memory_space<vmem>>
    %dma_wait3A_143 = tpu.memref_squeeze %dma_wait3A_142 : memref<1x128xi32, #tpu.memory_space<vmem>> -> memref<128xi32, #tpu.memory_space<vmem>>
    %dma_wait3A_144 = arith.constant 0 : i32
    %dma_wait3A_145 = tpu.memref_slice %arg5[%dma_wait3A_144] : memref<501xf32, #tpu.memory_space<vmem_shared>> -> memref<501xf32, #tpu.memory_space<vmem_shared>>
    tpu.wait_indirect_dma semaphore(%arg13 : memref<!tpu.dma_semaphore, #tpu.memory_space<semaphore_mem>>) src(%dma_wait3A_145 : memref<501xf32, #tpu.memory_space<vmem_shared>>) dst(%dma_wait3A_140 : memref<128xf32, #tpu.memory_space<vmem>>)
    %dma_wait3A_146 = arith.constant 5 : i32
    %dma_wait3A_147 = arith.constant 5 : i32
    %dma_wait3A_148 = arith.constant 0 : i32
    %dma_wait3A_149 = tpu.memref_slice %arg7[%dma_wait3A_147, %dma_wait3A_148] : memref<8x128xf32, #tpu.memory_space<vmem>> -> memref<1x128xf32, #tpu.memory_space<vmem>>
    %dma_wait3A_150 = tpu.memref_squeeze %dma_wait3A_149 : memref<1x128xf32, #tpu.memory_space<vmem>> -> memref<128xf32, #tpu.memory_space<vmem>>
    %dma_wait3A_151 = arith.constant 0 : i32
    %dma_wait3A_152 = tpu.memref_slice %arg6[%dma_wait3A_146, %dma_wait3A_151] : memref<8x128xi32, #tpu.memory_space<vmem>> -> memref<1x128xi32, #tpu.memory_space<vmem>>
    %dma_wait3A_153 = tpu.memref_squeeze %dma_wait3A_152 : memref<1x128xi32, #tpu.memory_space<vmem>> -> memref<128xi32, #tpu.memory_space<vmem>>
    %dma_wait3A_154 = arith.constant 0 : i32
    %dma_wait3A_155 = tpu.memref_slice %arg5[%dma_wait3A_154] : memref<501xf32, #tpu.memory_space<vmem_shared>> -> memref<501xf32, #tpu.memory_space<vmem_shared>>
    tpu.wait_indirect_dma semaphore(%arg14 : memref<!tpu.dma_semaphore, #tpu.memory_space<semaphore_mem>>) src(%dma_wait3A_155 : memref<501xf32, #tpu.memory_space<vmem_shared>>) dst(%dma_wait3A_150 : memref<128xf32, #tpu.memory_space<vmem>>)
    %dma_wait3A_156 = arith.constant 6 : i32
    %dma_wait3A_157 = arith.constant 6 : i32
    %dma_wait3A_158 = arith.constant 0 : i32
    %dma_wait3A_159 = tpu.memref_slice %arg7[%dma_wait3A_157, %dma_wait3A_158] : memref<8x128xf32, #tpu.memory_space<vmem>> -> memref<1x128xf32, #tpu.memory_space<vmem>>
    %dma_wait3A_160 = tpu.memref_squeeze %dma_wait3A_159 : memref<1x128xf32, #tpu.memory_space<vmem>> -> memref<128xf32, #tpu.memory_space<vmem>>
    %dma_wait3A_161 = arith.constant 0 : i32
    %dma_wait3A_162 = tpu.memref_slice %arg6[%dma_wait3A_156, %dma_wait3A_161] : memref<8x128xi32, #tpu.memory_space<vmem>> -> memref<1x128xi32, #tpu.memory_space<vmem>>
    %dma_wait3A_163 = tpu.memref_squeeze %dma_wait3A_162 : memref<1x128xi32, #tpu.memory_space<vmem>> -> memref<128xi32, #tpu.memory_space<vmem>>
    %dma_wait3A_164 = arith.constant 0 : i32
    %dma_wait3A_165 = tpu.memref_slice %arg5[%dma_wait3A_164] : memref<501xf32, #tpu.memory_space<vmem_shared>> -> memref<501xf32, #tpu.memory_space<vmem_shared>>
    tpu.wait_indirect_dma semaphore(%arg15 : memref<!tpu.dma_semaphore, #tpu.memory_space<semaphore_mem>>) src(%dma_wait3A_165 : memref<501xf32, #tpu.memory_space<vmem_shared>>) dst(%dma_wait3A_160 : memref<128xf32, #tpu.memory_space<vmem>>)
    %dma_wait3A_166 = arith.constant 7 : i32
    %dma_wait3A_167 = arith.constant 7 : i32
    %dma_wait3A_168 = arith.constant 0 : i32
    %dma_wait3A_169 = tpu.memref_slice %arg7[%dma_wait3A_167, %dma_wait3A_168] : memref<8x128xf32, #tpu.memory_space<vmem>> -> memref<1x128xf32, #tpu.memory_space<vmem>>
    %dma_wait3A_170 = tpu.memref_squeeze %dma_wait3A_169 : memref<1x128xf32, #tpu.memory_space<vmem>> -> memref<128xf32, #tpu.memory_space<vmem>>
    %dma_wait3A_171 = arith.constant 0 : i32
    %dma_wait3A_172 = tpu.memref_slice %arg6[%dma_wait3A_166, %dma_wait3A_171] : memref<8x128xi32, #tpu.memory_space<vmem>> -> memref<1x128xi32, #tpu.memory_space<vmem>>
    %dma_wait3A_173 = tpu.memref_squeeze %dma_wait3A_172 : memref<1x128xi32, #tpu.memory_space<vmem>> -> memref<128xi32, #tpu.memory_space<vmem>>
    %dma_wait3A_174 = arith.constant 0 : i32
    %dma_wait3A_175 = tpu.memref_slice %arg5[%dma_wait3A_174] : memref<501xf32, #tpu.memory_space<vmem_shared>> -> memref<501xf32, #tpu.memory_space<vmem_shared>>
    tpu.wait_indirect_dma semaphore(%arg16 : memref<!tpu.dma_semaphore, #tpu.memory_space<semaphore_mem>>) src(%dma_wait3A_175 : memref<501xf32, #tpu.memory_space<vmem_shared>>) dst(%dma_wait3A_170 : memref<128xf32, #tpu.memory_space<vmem>>)
    "tpu.region"() ({
      %run_scoped3A = tpu.sem_alloc : memref<!tpu.dma_semaphore, #tpu.memory_space<semaphore_mem>>
      %dma_start3A_176 = arith.constant 0 : i32
      %dma_start3A_177 = arith.constant 0 : i32
      %dma_start3A_178 = tpu.memref_slice %arg4[%arg1, %dma_start3A_176, %dma_start3A_177] : memref<16x8x128xf32, #tpu.memory_space<hbm>> -> memref<1x8x128xf32, #tpu.memory_space<hbm>>
      %dma_start3A_179 = tpu.memref_squeeze %dma_start3A_178 : memref<1x8x128xf32, #tpu.memory_space<hbm>> -> memref<8x128xf32, #tpu.memory_space<hbm>>
      %dma_start3A_180 = arith.constant 0 : i32
      %dma_start3A_181 = arith.constant 0 : i32
      %dma_start3A_182 = tpu.memref_slice %arg4[%arg1, %dma_start3A_180, %dma_start3A_181] : memref<16x8x128xf32, #tpu.memory_space<hbm>> -> memref<1x8x128xf32, #tpu.memory_space<hbm>>
      %dma_start3A_183 = tpu.memref_squeeze %dma_start3A_182 : memref<1x8x128xf32, #tpu.memory_space<hbm>> -> memref<8x128xf32, #tpu.memory_space<hbm>>
      tpu.enqueue_dma source(%arg7 : memref<8x128xf32, #tpu.memory_space<vmem>>) target(%dma_start3A_183 : memref<8x128xf32, #tpu.memory_space<hbm>>) target_semaphore(%run_scoped3A : memref<!tpu.dma_semaphore, #tpu.memory_space<semaphore_mem>>)
      %dma_wait3A_184 = arith.constant 0 : i32
      %dma_wait3A_185 = arith.constant 0 : i32
      %dma_wait3A_186 = tpu.memref_slice %arg4[%arg1, %dma_wait3A_184, %dma_wait3A_185] : memref<16x8x128xf32, #tpu.memory_space<hbm>> -> memref<1x8x128xf32, #tpu.memory_space<hbm>>
      %dma_wait3A_187 = tpu.memref_squeeze %dma_wait3A_186 : memref<1x8x128xf32, #tpu.memory_space<hbm>> -> memref<8x128xf32, #tpu.memory_space<hbm>>
      %dma_wait3A_188 = arith.constant 0 : i32
      %dma_wait3A_189 = arith.constant 0 : i32
      %dma_wait3A_190 = tpu.memref_slice %arg4[%arg1, %dma_wait3A_188, %dma_wait3A_189] : memref<16x8x128xf32, #tpu.memory_space<hbm>> -> memref<1x8x128xf32, #tpu.memory_space<hbm>>
      %dma_wait3A_191 = tpu.memref_squeeze %dma_wait3A_190 : memref<1x8x128xf32, #tpu.memory_space<hbm>> -> memref<8x128xf32, #tpu.memory_space<hbm>>
      tpu.wait_dma2 semaphore(%run_scoped3A : memref<!tpu.dma_semaphore, #tpu.memory_space<semaphore_mem>>) src(%arg7 : memref<8x128xf32, #tpu.memory_space<vmem>>) dst(%dma_wait3A_191 : memref<8x128xf32, #tpu.memory_space<hbm>>)
      tpu.yield
    }) : () -> ()
    return
  }
}

</mosaic_0001>

<sc_bundles>
// kernel: kernel.3.cloned.1.call-start
scs
__scs_entry_jumppad:
0x0: {  	(pc) =	sbr.rel $0x88, $3  }
0x1: {  	(tag) =	ssettag $0x0;
	lr =	simm.s32 $0x1  }
0x2: {  	[smem:$0x3F9F] =	sst lr;
	_ =	strace $0xD0000000  }
0x3: {  	_ = 	snop  }
0x4: {  	_ = 	snop  }
0x5: {  	_ = 	snop  }
0x6: {  	_ = 	snop  }
0x7: {  	_ = 	snop  }
__scs_overlays_trampoline_lowered:
0x8: {  	[smem:$0x3FAE] =	sst s0  }
0x9: {  	[smem:$0x3FAF] =	sst s1  }
0xa: {  	[smem:$0x3FB0] =	sst s2  }
0xb: {  	[smem:$0x3FB1] =	sst s3  }
0xc: {  	[smem:$0x3FB2] =	sst s4  }
0xd: {  	[smem:$0x3FB3] =	sst s5  }
0xe: {  	[smem:$0x3FB4] =	sst s6  }
0xf: {  	[smem:$0x3FB5] =	sst s7  }
0x10: {  	[smem:$0x3FB6] =	sst s8  }
0x11: {  	[smem:$0x3FB7] =	sst s9;
	s0 =	simm.s32 @!p0 $0x0  }
0x12: {  	s1 =	sld [smem:$0x3F9D];
	s0 =	simm.s32 @p0 $0x1  }
0x13: {  	[smem:$0x3FB8] =	sst s0;
	s0 =	simm.s32 @!p1 $0x0  }
0x14: {  	s2 =	sld [smem:$0x3F9C];
	s0 =	simm.s32 @p1 $0x1  }
0x15: {  	[smem:$0x3FB9] =	sst s0;
	s0 =	simm.s32 @!p2 $0x0  }
0x16: {  	s3 =	sld [smem:$0x3FDB];
	s0 =	simm.s32 @p2 $0x1  }
0x17: {  	s4 =	simm.s32 $0x1BF5;
	[smem:$0x3FBB] =	sst s0  }
0x18: {  	s0 =	sld [smem:$0x3F9E];
	_ =	swait.ge [sflag:s4], $0x0  }
0x19: {  	s7 =	sld [smem:$0x3F9F]  }
0x1a: {  	s8 =	sadd.s32 $0xFFFFE003, lr  }
0x1b: {  	s9 =	sadd.s32 $0xFFFFFEF7, lr;
	s5 =	simm.s32 $0xFFFFFFFF;
	p2 =	slt.u32 s8, $0xFFFFF086  }
0x1c: {  	p1 =	slt.u32 s9, $0xF7A;
	s5 =	simm.s32 @!p2 $0x0  }
0x1d: {  	s5 =	simm.s32 @p1 $0x1;
	p0 =	seq.s32 s7, s2  }
0x1e: {  	s7 =	smul.u32 @!p0 $0xF7A, s2;
	p2 =	seq.s32 @!p0 s5, $0x0  }
0x1f: {  	s9 =	smul.u32 $0xF7A, s1;
	s8 =	simm.s32 @!p0 $0x1BF5;
	p2 =	por !p2, p0  }
0x20: {  	[sflag:s8] =	ssyncset.s32 @!p0 $0xFFFFF086;
	s6 =	sadd.s32 @!p0 s3, s7;
	s7 =	simm.s32 @!p0 $0x108  }
0x21: {  	s3 =	sadd.s32 s3, s9;
	s6 =	sadd.s32 @!p0 $0x88, s6;
	s7 =	simm.s32 @p2 $0x1082  }
0x22: {  	[simem:s7], [sflag:s8] =	dma.local @!p0 [hbm:s6], $0xF7A  }
0x23: {  	s9 =	sor.u32 $0xD0000000, s2;
	s6 =	simm.s32 $0x108;
	_ =	swait.ge @!p0 [sflag:s8], $0x0  }
0x24: {  	s3 =	sadd.s32 $0x88, s3;
	s6 =	simm.s32 @!p1 $0x1082;
	[sflag:s4] =	ssyncset.s32 $0xFFFFF086  }
0x25: {  	[simem:s6], [sflag:s4] =	dma.local [hbm:s3], $0xF7A  }
0x26: {  	[smem:$0x3F9F] =	sst s1;
	(tag) =	ssettag s2;
	_ =	strace s9  }
0x27: {  	s1 =	sld [smem:$0x3FAF]  }
0x28: {  	s2 =	sld [smem:$0x3FB0]  }
0x29: {  	s4 =	sld [smem:$0x3FB2]  }
0x2a: {  	p0 =	seq.s32 s5, $0x0;
	s5 =	sld [smem:$0x3FB3]  }
0x2b: {  	s6 =	sld [smem:$0x3FB4]  }
0x2c: {  	s7 =	sld [smem:$0x3FB5]  }
0x2d: {  	s3 =	simm.s32 $0x108;
	s8 =	sld [smem:$0x3FB6]  }
0x2e: {  	s3 =	simm.s32 @!p0 $0x1082;
	s9 =	sld [smem:$0x3FB7]  }
0x2f: {  	lr =	sadd.s32 s0, s3;
	s0 =	sld [smem:$0x3FAE]  }
0x30: {  	s3 =	sld [smem:$0x3FB1]  }
0x31: {  	[smem:$0x3FBA] =	sst s10  }
0x32: {  	s10 =	sld [smem:$0x3FB8];
	_ =	sdelay $0x3  }
0x33: {  	p0 =	seq.s32 s10, $0x1;
	s10 =	sld [smem:$0x3FBA];
	_ =	sdelay $0x3  }
0x34: {  	[smem:$0x3FBA] =	sst s10  }
0x35: {  	s10 =	sld [smem:$0x3FB9];
	_ =	sdelay $0x3  }
0x36: {  	p1 =	seq.s32 s10, $0x1;
	s10 =	sld [smem:$0x3FBA];
	_ =	sdelay $0x3  }
0x37: {  	[smem:$0x3FBA] =	sst s10  }
0x38: {  	s10 =	sld [smem:$0x3FBB]  }
0x39: {  	_ = 	snop;
	(pc) =	sbr.ind lr, $3  }
0x3a: {  	_ = 	snop  }
0x3b: {  	_ = 	snop  }
0x3c: {  	p2 =	seq.s32 s10, $0x1;
	s10 =	sld [smem:$0x3FBA]  }
0x3d: {  	_ =	shalt  }
0x3e: {  	_ =	shalt  }
0x3f: {  	_ =	shalt  }
0x40: {  	_ =	shalt  }
0x41: {  	_ =	shalt  }
0x42: {  	_ =	shalt  }
0x43: {  	_ =	shalt  }
0x44: {  	_ =	shalt  }
0x45: {  	_ =	shalt  }
0x46: {  	_ =	shalt  }
0x47: {  	_ =	shalt  }
0x48: {  	_ =	shalt  }
0x49: {  	_ =	shalt  }
0x4a: {  	_ =	shalt  }
0x4b: {  	_ =	shalt  }
0x4c: {  	_ =	shalt  }
0x4d: {  	_ =	shalt  }
0x4e: {  	_ =	shalt  }
0x4f: {  	_ =	shalt  }
0x50: {  	_ =	shalt  }
0x51: {  	_ =	shalt  }
0x52: {  	_ =	shalt  }
0x53: {  	_ =	shalt  }
0x54: {  	_ =	shalt  }
0x55: {  	_ =	shalt  }
0x56: {  	_ =	shalt  }
0x57: {  	_ =	shalt  }
0x58: {  	_ =	shalt  }
0x59: {  	_ =	shalt  }
0x5a: {  	_ =	shalt  }
0x5b: {  	_ =	shalt  }
0x5c: {  	_ =	shalt  }
0x5d: {  	_ =	shalt  }
0x5e: {  	_ =	shalt  }
0x5f: {  	_ =	shalt  }
0x60: {  	_ =	shalt  }
0x61: {  	_ =	shalt  }
0x62: {  	_ =	shalt  }
0x63: {  	_ =	shalt  }
0x64: {  	_ =	shalt  }
0x65: {  	_ =	shalt  }
0x66: {  	_ =	shalt  }
0x67: {  	_ =	shalt  }
0x68: {  	_ =	shalt  }
0x69: {  	_ =	shalt  }
0x6a: {  	_ =	shalt  }
0x6b: {  	_ =	shalt  }
0x6c: {  	_ =	shalt  }
0x6d: {  	_ =	shalt  }
0x6e: {  	_ =	shalt  }
0x6f: {  	_ =	shalt  }
0x70: {  	_ =	shalt  }
0x71: {  	_ =	shalt  }
0x72: {  	_ =	shalt  }
0x73: {  	_ =	shalt  }
0x74: {  	_ =	shalt  }
0x75: {  	_ =	shalt  }
0x76: {  	_ =	shalt  }
0x77: {  	_ =	shalt  }
0x78: {  	_ =	shalt  }
0x79: {  	_ =	shalt  }
0x7a: {  	_ =	shalt  }
0x7b: {  	_ =	shalt  }
0x7c: {  	_ =	shalt  }
0x7d: {  	_ =	shalt  }
0x7e: {  	_ =	shalt  }
0x7f: {  	_ =	shalt  }
0x80: {  	_ =	shalt  }
0x81: {  	_ =	shalt  }
0x82: {  	_ =	shalt  }
0x83: {  	_ =	shalt  }
0x84: {  	_ =	shalt  }
0x85: {  	_ =	shalt  }
0x86: {  	_ =	shalt  }
0x87: {  	_ =	shalt  }
.Lfunc_end0:
.L_simem_size_0:
called_computation_lowered:
.L_overlay_start_0:
0x88: {  	s0 =	sld [smem:$0x3FD9]  }
0x89: {  	s1 =	sld [smem:$0x3FFE];
	_ =	sdelay $0x3  }
0x8a: {  	s0 =	sadd.s32 s1, s0  }
0x8b: {  	[smem:$0x3FC6] =	sst s0  }
0x8c: {  	_ = 	snop  }
0x8d: {  	s0 =	sld [smem:$0x3FC9]  }
0x8e: {  	s17 =	sld [smem:$0x3FC8]  }
0x8f: {  	s2 =	sld [smem:$0x3FD0];
	(tm) =	ssettm $0x1  }
0x90: {  	s3 =	sld [smem:$0x3FFB];
	_ =	sdelay $0x3  }
0x91: {  	_ =	strace s3  }
0x92: {  	s3 =	sld [smem:$0x3FFC];
	_ =	sdelay $0x3  }
0x93: {  	_ =	strace s3  }
0x94: {  	s3 =	sld [smem:$0x3FFD];
	_ =	sdelay $0x3  }
0x95: {  	_ =	strace s3  }
0x96: {  	_ =	strace $0x8FFFFFFF  }
0x97: {  	s18 =	sld [smem:$0x3FDB];
	_ =	sdelay $0x1  }
0x98: {  	s4 =	simm.s32 $_scs_section_size  }
0x99: {  	s5 =	simm.s32 $_size__tile_overlayer_lowered;
	s6 =	simm.s32 $_tile_overlayer_lowered  }
0x9a: {  	s21 =	simm.s32 $0x1BFF;
	s20 =	sshll.u32 s6, $0x1;
	s3 =	sadd.s32 s4, s18  }
0x9b: {  	s7 =	simm.s32 $0x0;
	s19 =	sshll.u32 s5, $0x1;
	s5 =	sadd.s32 s20, s3  }
0x9c: {  	[timem:s7], [sflag:s21] =	dma.local [hbm:s5], s19  }
0x9d: {  	_ =	swait.ge [sflag:s21], s19  }
0x9e: {  	s4 =	ssub.s32 $0x0, s19;
	[sflag:s21] =	ssyncset.done $0x0  }
0x9f: {  	[sflag:s21] =	ssyncadd.s32 s4;
	_ =	sdelay $0x1  }
0xa0: {  	s22 =	simm.s32 $0x1B8B  }
0xa1: {  	_ =	swait.ge [sflag:s22], $0x1  }
0xa2: {  	[sflag:s22] =	ssyncset.done $0x0  }
0xa3: {  	s23 =	simm.s32 $0x1B8E;
	[sflag:s22] =	ssyncadd.s32 $0xFFFFFFFF  }
0xa4: {  	s24 =	simm.s32 $execute0_lowered;
	[smem:$0x3FD2] =	sst s23  }
0xa5: {  	s4 =	sshll.u32 s24, $0x1;
	_ =	strace $0x80000046;
	[dreg:$0x1] =	wrdreg $0xFFFFFFFF  }
0xa6: {  	s25 =	simm.s32 $_size_execute0_lowered;
	s3 =	sadd.s32 s3, s4;
	[dreg:$0x0] =	wrdreg $0x0  }
0xa7: {  	s4 =	sshll.u32 s25, $0x1;
	[dreg:$0x2] =	wrdreg s3  }
0xa8: {  	[dreg:$0x3] =	wrdreg s4  }
0xa9: {  	[dreg:$0x4] =	wrdreg $0xC0  }
0xaa: {  	_ =	task [dreg:s7], $0x5FFFF  }
0xab: {  	[dreg:$0x1] =	wrdreg $0xFFFFFFFF  }
0xac: {  	[dreg:$0x0] =	wrdreg $0x60  }
0xad: {  	[dreg:$0x2] =	wrdreg s17  }
0xae: {  	[dreg:$0x3] =	wrdreg s0  }
0xaf: {  	[dreg:$0x4] =	wrdreg s2  }
0xb0: {  	[dreg:$0x5] =	wrdreg $0x0  }
0xb1: {  	[dreg:$0x6] =	wrdreg $0x9  }
0xb2: {  	_ =	task.clear_ibuf [dreg:s7], $0x7FFFF;
	_ =	strace $0x90000046  }
0xb3: {  	s26 =	simm.s32 $0x9;
	_ =	strace $0x80000048  }
0xb4: {  	_ =	swait.ge [sflag:s26], $0x1  }
0xb5: {  	[sflag:s26] =	ssyncadd.s32 $0xFFFFFFFF  }
0xb6: {  	_ =	strace $0x90000048  }
0xb7: {  	_ =	sfence  }
0xb8: {  	s28 =	sld [smem:$0x0];
	_ =	sdelay $0x1  }
0xb9: {  	s29 =	srdreg.scid  }
0xba: {  	s30 =	sshll.u32 s29, $0xD;
	s31 =	sshrl.u32 s29, $0x2  }
0xbb: {  	s1 =	sand.u32 $0x1, s29;
	s2 =	sand.u32 $0x4000, s30;
	s0 =	sadd.s32 s31, s28  }
0xbc: {  	s1 =	sor.u32 s2, s1;
	s0 =	sshll.u32 s0, $0x11  }
0xbd: {  	s0 =	sor.u32 s0, s1  }
0xbe: {  	s0 =	sadd.s32 $0x8F2B, s0  }
0xbf: {  	[sflag:s0] =	ssyncadd.remote.s32 $0x1  }
0xc0: {  	_ =	sfence.sel $0xFFFF  }
0xc1: {  	[dreg:$0x0] =	wrdreg $0xFFFFFFFF;
	(pc) =	sbr.abs _section_cstart, $3  }
0xc2: {  	[dreg:$0x1] =	wrdreg $0xFFFFFFFF  }
0xc3: {  	_ =	task.clear_ibuf [dreg:s7], $0x2FFFF;
	_ =	strace $0x9FFFFFFF  }
0xc4: {  	(tm) =	ssettm $0x7FFFFFFF  }
0xc5: {  	_ =	shalt  }
tec
execute0_lowered:
.L_overlay_start_1:
0x0: {  	(tag) =	ssettag $0x1  }
0x1: {  	s4 =	rddreg [dreg:$0x0]  }
0x2: {  	s5 =	rddreg [dreg:$0x1]  }
0x3: {  	s1 =	rddreg [dreg:$0x2]  }
0x4: {  	s6 =	rddreg [dreg:$0x3]  }
0x5: {  	s0 =	rddreg [dreg:$0x4];
	s2 =	simm.s32 $0x0;
	s7 =	stileid.u32  }
0x6: {  	s28 =	simm.s32 $0x20;
	[smem:$0x7FF] =	sst s2;
	s3 =	sshll.u32 s7, $0x7  }
0x7: {  	p0 =	sne.s32 s7, $0x0;
	_ =	strace $0x80000047;
	s5 =	sadd.s32 s5, s3  }
0x8: {  	[tilespmem:s28], [sflag:$0x1] =	stream.linear.gather [hbm4b:s5+s2], $0x400, $0x38;
	[tilespmem:$0x820] =	vst v63  }
0x9: {  	s8 =	simm.s32 @!p0 $0x1C0A;
	s5 =	sshrl.u32 @!p0 s6, $0x3  }
0xa: {  	[spmem:s5], [sflag:s8] =	dma.local @!p0 [hbm:s4], $0x40  }
0xb: {  	s4 =	simm.s32 @!p0 $0xA  }
0xc: {  	_ =	swait.ge @!p0 [sflag:s4], $0x40  }
0xd: {  	[sflag:s4] =	ssyncset.done @!p0 $0x0  }
0xe: {  	s29 =	simm.s32 $0x1;
	[sflag:s4] =	ssyncadd.s32 @!p0 $0xFFFFFFC0  }
0xf: {  	_ =	swait.ge [sflag:s29], $0x400  }
0x10: {  	[sflag:s29] =	ssyncset.done $0x0  }
0x11: {  	[sflag:s29] =	ssyncadd.s32 $0xFFFFFC00  }
0x12: {  	s30 =	simm.s32 $0x80;
	s31 =	simm.s32 $0x420;
	[bflag:$0x0] =	sbarrier.arrive $0xFFFF  }
0x13: {  	[tilespmem:s31], [sflag:$0x2] =	stream.indirect.gather [spmem:s6], $0x1, s28, s30, $0xb8;
	[tilespmem:$0x820] =	vst v63  }
0x14: {  	s9 =	simm.s32 $0x4A0;
	s8 =	simm.s32 $0xA0  }
0x15: {  	[tilespmem:s9], [sflag:$0x3] =	stream.indirect.gather [spmem:s6], $0x1, s8, s30, $0xb8;
	[tilespmem:$0x820] =	vst v63  }
0x16: {  	s10 =	simm.s32 $0x120;
	s11 =	simm.s32 $0x520  }
0x17: {  	[tilespmem:s11], [sflag:$0x4] =	stream.indirect.gather [spmem:s6], $0x1, s10, s30, $0xb8;
	[tilespmem:$0x820] =	vst v63  }
0x18: {  	s12 =	simm.s32 $0x1A0;
	s13 =	simm.s32 $0x5A0  }
0x19: {  	[tilespmem:s13], [sflag:$0x5] =	stream.indirect.gather [spmem:s6], $0x1, s12, s30, $0xb8;
	[tilespmem:$0x820] =	vst v63  }
0x1a: {  	s14 =	simm.s32 $0x220;
	s15 =	simm.s32 $0x620  }
0x1b: {  	[tilespmem:s15], [sflag:$0x6] =	stream.indirect.gather [spmem:s6], $0x1, s14, s30, $0xb8;
	[tilespmem:$0x820] =	vst v63  }
0x1c: {  	s16 =	simm.s32 $0x2A0;
	s17 =	simm.s32 $0x6A0  }
0x1d: {  	[tilespmem:s17], [sflag:$0x7] =	stream.indirect.gather [spmem:s6], $0x1, s16, s30, $0xb8;
	[tilespmem:$0x820] =	vst v63  }
0x1e: {  	s18 =	simm.s32 $0x320;
	s19 =	simm.s32 $0x720  }
0x1f: {  	[tilespmem:s19], [sflag:$0x8] =	stream.indirect.gather [spmem:s6], $0x1, s18, s30, $0xb8;
	[tilespmem:$0x820] =	vst v63  }
0x20: {  	s20 =	simm.s32 $0x3A0;
	s21 =	simm.s32 $0x7A0;
	s22 =	simm.s32 $0x2  }
0x21: {  	[tilespmem:s21], [sflag:$0x9] =	stream.indirect.gather [spmem:s6], $0x1, s20, s30, $0xb8;
	[tilespmem:$0x820] =	vst v63  }
0x22: {  	_ =	swait.ge [sflag:s22], $0x80  }
0x23: {  	[sflag:s22] =	ssyncset.done $0x0  }
0x24: {  	s23 =	simm.s32 $0x3;
	[sflag:s22] =	ssyncadd.s32 $0xFFFFFF80  }
0x25: {  	_ =	swait.ge [sflag:s23], $0x80  }
0x26: {  	[sflag:s23] =	ssyncset.done $0x0  }
0x27: {  	s24 =	simm.s32 $0x4;
	[sflag:s23] =	ssyncadd.s32 $0xFFFFFF80  }
0x28: {  	_ =	swait.ge [sflag:s24], $0x80  }
0x29: {  	[sflag:s24] =	ssyncset.done $0x0  }
0x2a: {  	s25 =	simm.s32 $0x5;
	[sflag:s24] =	ssyncadd.s32 $0xFFFFFF80  }
0x2b: {  	_ =	swait.ge [sflag:s25], $0x80  }
0x2c: {  	[sflag:s25] =	ssyncset.done $0x0  }
0x2d: {  	s26 =	simm.s32 $0x6;
	[sflag:s25] =	ssyncadd.s32 $0xFFFFFF80  }
0x2e: {  	_ =	swait.ge [sflag:s26], $0x80  }
0x2f: {  	[sflag:s26] =	ssyncset.done $0x0  }
0x30: {  	s28 =	simm.s32 $0x7;
	[sflag:s26] =	ssyncadd.s32 $0xFFFFFF80  }
0x31: {  	_ =	swait.ge [sflag:s28], $0x80  }
0x32: {  	[sflag:s28] =	ssyncset.done $0x0  }
0x33: {  	s29 =	simm.s32 $0x8;
	[sflag:s28] =	ssyncadd.s32 $0xFFFFFF80  }
0x34: {  	_ =	swait.ge [sflag:s29], $0x80  }
0x35: {  	[sflag:s29] =	ssyncset.done $0x0  }
0x36: {  	s30 =	simm.s32 $0x9;
	[sflag:s29] =	ssyncadd.s32 $0xFFFFFF80  }
0x37: {  	_ =	swait.ge [sflag:s30], $0x80  }
0x38: {  	[sflag:s30] =	ssyncset.done $0x0  }
0x39: {  	s1 =	sadd.s32 s1, s3;
	[sflag:s30] =	ssyncadd.s32 $0xFFFFFF80  }
0x3a: {  	[hbm4b:s1+s2] =	stream.linear.scatter [tilespmem:s31], [sflag:$0xA], $0x400, $0x38;
	[tilespmem:$0x820] =	vst v63  }
0x3b: {  	s31 =	simm.s32 $0xA  }
0x3c: {  	_ =	swait.ge [sflag:s31], $0x400  }
0x3d: {  	[sflag:s31] =	ssyncset.done $0x0  }
0x3e: {  	[sflag:s31] =	ssyncadd.s32 $0xFFFFFC00  }
0x3f: {  	_ =	sfence.sel $0x180000  }
0x40: {  	[bflag:$0x0] =	sbarrier.arrive $0xFFFF  }
0x41: {  	_ =	strace $0x90000047  }
0x42: {  	s0 =	sadd.s32 @!p0 $0x100000, s0;
	[bflag:$0x2] =	sbarrier.arrive $0xFFFF  }
0x43: {  	[sflag:s0] =	ssyncadd.tile.s32 @!p0 $0x1;
	_ =	shalt  }
.Lfunc_end2:
_tile_overlayer_lowered:
.L_overlay_start_2:
0x44: {  	(tag) =	ssettag $0x2  }
0x45: {  	s0 =	rddreg [dreg:$0x0];
	s2 =	stileid.u32  }
0x46: {  	s1 =	rddreg [dreg:$0x1];
	p0 =	sne.s32 s2, $0x0  }
0x47: {  	s3 =	rddreg [dreg:$0x2];
	[bflag:$0x3] =	sbarrier.arrive $0xFFFF;
	s2 =	simm.s32 @!p0 $0x1C0A  }
0x48: {  	[timem:s3], [sflag:s2] =	dma.local @!p0 [hbm:s0], s1  }
0x49: {  	s0 =	simm.s32 @!p0 $0xA  }
0x4a: {  	_ =	swait.ge @!p0 [sflag:s0], s1  }
0x4b: {  	s1 =	ssub.s32 @!p0 $0x0, s1;
	[sflag:s0] =	ssyncset.done @!p0 $0x0  }
0x4c: {  	[sflag:s0] =	ssyncadd.s32 @!p0 s1  }
0x4d: {  	[bflag:$0x3] =	sbarrier.arrive $0xFFFF  }
0x4e: {  	_ =	shalt  }

</sc_bundles>
